<compile_context>
chip_gen: v7x
topology: tpu7x:2x2x1
jax: 0.10.2.dev20260603
libtpu: 0.0.44.dev20260713+nightly
codegen_flags: <defaults>
</compile_context>

<pallas_src>
import functools

import jax
import jax.numpy as jnp
from jax import lax
from jax.experimental import pallas as pl
from jax.experimental.pallas import tpu as pltpu
from jax.experimental.pallas import tpu_sc as plsc

_BATCH = 16384
_HIST = 50
_NW = 32
_COLS_W = _BATCH // _NW
_VOCAB = 1000000
_VOCAB_PER_S = _VOCAB // 16
_STRIPE = _VOCAB_PER_S + 4
_CHUNK = 7816
_NCHUNK = 8
_SIZES = [_CHUNK] * 7 + [_STRIPE - 7 * _CHUNK]
_OFFS = [k * _CHUNK for k in range(_NCHUNK)]


def _make_gather():
    mesh = plsc.VectorSubcoreMesh(core_axis_name="c", subcore_axis_name="s")

    @functools.partial(
        pl.kernel,
        mesh=mesh,
        out_type=jax.ShapeDtypeStruct((_HIST, _BATCH), jnp.float32),
        scratch_types=[
            pltpu.VMEM((_HIST * _COLS_W,), jnp.int32),
            pltpu.VMEM((_HIST * _COLS_W,), jnp.float32),
            pltpu.VMEM((_CHUNK,), jnp.float32),
            pltpu.VMEM((_CHUNK,), jnp.float32),
            pltpu.VMEM_SHARED((_VOCAB,), jnp.float32),
            pltpu.SemaphoreType.DMA,
            pltpu.SemaphoreType.DMA,
            pltpu.SemaphoreType.DMA,
        ],
    )
    def gather_kernel(x_hbm, tbl_hbm, out_hbm, idx_v, val_v, buf0, buf1,
                      tbl_s, sem, sem2, sem3):
        cid = lax.axis_index("c")
        sid = lax.axis_index("s")
        col0 = (sid * 2 + cid) * _COLS_W

        s0 = sid * _VOCAB_PER_S
        start = pl.multiple_of(s0 - lax.rem(s0, 8), 8)
        bufs = (buf0, buf1)
        copies = [
            pltpu.async_copy(
                tbl_hbm.at[pl.ds(start + _OFFS[0], _SIZES[0])],
                buf0.at[pl.ds(0, _SIZES[0])], sem2),
            pltpu.async_copy(
                tbl_hbm.at[pl.ds(start + _OFFS[1], _SIZES[1])],
                buf1.at[pl.ds(0, _SIZES[1])], sem2),
        ]
        def iload(r, carry):
            pltpu.async_copy(
                x_hbm.at[r, pl.ds(col0, _COLS_W)],
                idx_v.at[pl.ds(r * _COLS_W, _COLS_W)], sem3)
            return carry

        lax.fori_loop(0, _HIST, iload, 0)
        for k in range(_NCHUNK):
            copies[k % 2].wait()
            pltpu.sync_copy(
                bufs[k % 2].at[pl.ds(0, _SIZES[k])],
                tbl_s.at[pl.ds(start + _OFFS[k], _SIZES[k])])
            if k + 2 < _NCHUNK:
                copies[k % 2] = pltpu.async_copy(
                    tbl_hbm.at[pl.ds(start + _OFFS[k + 2], _SIZES[k + 2])],
                    bufs[k % 2].at[pl.ds(0, _SIZES[k + 2])], sem2)
        def idrain(r, carry):
            pltpu.make_async_copy(
                x_hbm.at[r, pl.ds(col0, _COLS_W)],
                idx_v.at[pl.ds(r * _COLS_W, _COLS_W)], sem3).wait()
            return carry

        lax.fori_loop(0, _HIST, idrain, 0)
        plsc.subcore_barrier()
        pltpu.async_copy(tbl_s.at[idx_v], val_v, sem).wait()

        def wback(r, carry):
            pltpu.async_copy(
                val_v.at[pl.ds(r * _COLS_W, _COLS_W)],
                out_hbm.at[r, pl.ds(col0, _COLS_W)], sem3)
            return carry

        lax.fori_loop(0, _HIST, wback, 0)

        def wdrain(r, carry):
            pltpu.make_async_copy(
                val_v.at[pl.ds(r * _COLS_W, _COLS_W)],
                out_hbm.at[r, pl.ds(col0, _COLS_W)], sem3).wait()
            return carry

        lax.fori_loop(0, _HIST, wdrain, 0)

    return gather_kernel


def kernel(x, item_b):
    out_t = _make_gather()(x.T.astype(jnp.int32), item_b)
    return out_t.T

# --- scband reference (transcript-rebuilt; emitter-appended) ---
"""Pipeline reference for scband-item-bias-24129126269280 (READ-ONLY COPY).

The authoritative reference and input builder live on the scoring server;
editing this copy changes nothing except your own understanding.
"""

import jax, jax.numpy as jnp
import numpy as np

VOCAB_SIZE = 1000000
BATCH = 16384
HIST_LEN = 50

def setup_inputs(seed: int = 0) -> dict:
    key = jax.random.key(seed)
    k1, k2 = jax.random.split(key)
    x = jax.random.randint(k1, (BATCH, HIST_LEN), 0, VOCAB_SIZE, dtype=jnp.int64 if jax.config.jax_enable_x64 else jnp.int32)
    # item_bias initialized to zeros in the original module; use small random values
    # so the gather result is nontrivial (original initializer is constant 0.0; keep zeros for faithfulness)
    item_b = jnp.zeros((VOCAB_SIZE,), dtype=jnp.float32)
    return {"x": x, "item_b": item_b}

def reference(x, item_b):
    # tf.gather(self.item_b, x) -> jnp.take along axis 0
    return jnp.take(item_b, x, axis=0)

if __name__ == "__main__":
    import jax
    _d = setup_inputs()
    print(jax.jit(kernel)(*tuple(_d.values())))

</pallas_src>

<mosaic_0001>
#map = affine_map<(d0, d1) -> (0, 0)>
#map1 = affine_map<(d0, d1) -> (0)>
module attributes {stable_mosaic.version = 14 : i64} {
  func.func @gather_kernel(%arg0: i32, %arg1: i32, %arg2: memref<50x16384xi32, #tpu.memory_space<hbm>>, %arg3: memref<1000000xf32, #tpu.memory_space<hbm>>, %arg4: memref<50x16384xf32, #tpu.memory_space<hbm>>, %arg5: memref<25600xi32, #tpu.memory_space<vmem>>, %arg6: memref<25600xf32, #tpu.memory_space<vmem>>, %arg7: memref<7816xf32, #tpu.memory_space<vmem>>, %arg8: memref<7816xf32, #tpu.memory_space<vmem>>, %arg9: memref<1000000xf32, #tpu.memory_space<vmem_shared>>, %arg10: memref<!tpu.dma_semaphore, #tpu.memory_space<semaphore_mem>>, %arg11: memref<!tpu.dma_semaphore, #tpu.memory_space<semaphore_mem>>, %arg12: memref<!tpu.dma_semaphore, #tpu.memory_space<semaphore_mem>>) attributes {dimension_semantics = [#tpu.dimension_semantics<core_parallel>, #tpu.dimension_semantics<subcore_parallel>], iteration_bounds = array<i64: 2, 16>, scalar_prefetch = 0 : i64, scratch_operands = 8 : i64, tpu.core_type = #tpu.core_type<sc_vector_subcore>, window_params = [{transform_indices = #map}, {transform_indices = #map1}, {transform_indices = #map}]} {
    %mul3A = arith.constant 2 : i32
    %mul3A_0 = arith.muli %arg1, %mul3A : i32
    %add3A = arith.addi %mul3A_0, %arg0 : i32
    %mul3A_1 = arith.constant 512 : i32
    %mul3A_2 = arith.muli %add3A, %mul3A_1 : i32
    %mul3A_3 = arith.constant 62500 : i32
    %mul3A_4 = arith.muli %arg1, %mul3A_3 : i32
    %rem3A = arith.constant 8 : i32
    %rem3A_5 = arith.remsi %mul3A_4, %rem3A : i32
    %sub3A = arith.subi %mul3A_4, %rem3A_5 : i32
    %multiple_of3A = tpu.assume_multiple %sub3A, 8 : i32
    %add3A_6 = arith.constant 0 : i32
    %add3A_7 = arith.addi %multiple_of3A, %add3A_6 : i32
    %dma_start3A = arith.constant 0 : i32
    %dma_start3A_8 = tpu.memref_slice %arg7[%dma_start3A] : memref<7816xf32, #tpu.memory_space<vmem>> -> memref<7816xf32, #tpu.memory_space<vmem>>
    %dma_start3A_9 = tpu.memref_slice %arg3[%add3A_7] : memref<1000000xf32, #tpu.memory_space<hbm>> -> memref<7816xf32, #tpu.memory_space<hbm>>
    %dma_start3A_10 = arith.constant 0 : i32
    %dma_start3A_11 = tpu.memref_slice %arg7[%dma_start3A_10] : memref<7816xf32, #tpu.memory_space<vmem>> -> memref<7816xf32, #tpu.memory_space<vmem>>
    %dma_start3A_12 = tpu.memref_slice %arg3[%add3A_7] : memref<1000000xf32, #tpu.memory_space<hbm>> -> memref<7816xf32, #tpu.memory_space<hbm>>
    tpu.enqueue_dma source(%dma_start3A_12 : memref<7816xf32, #tpu.memory_space<hbm>>) target(%dma_start3A_11 : memref<7816xf32, #tpu.memory_space<vmem>>) target_semaphore(%arg11 : memref<!tpu.dma_semaphore, #tpu.memory_space<semaphore_mem>>)
    %add3A_13 = arith.constant 7816 : i32
    %add3A_14 = arith.addi %multiple_of3A, %add3A_13 : i32
    %dma_start3A_15 = arith.constant 0 : i32
    %dma_start3A_16 = tpu.memref_slice %arg8[%dma_start3A_15] : memref<7816xf32, #tpu.memory_space<vmem>> -> memref<7816xf32, #tpu.memory_space<vmem>>
    %dma_start3A_17 = tpu.memref_slice %arg3[%add3A_14] : memref<1000000xf32, #tpu.memory_space<hbm>> -> memref<7816xf32, #tpu.memory_space<hbm>>
    %dma_start3A_18 = arith.constant 0 : i32
    %dma_start3A_19 = tpu.memref_slice %arg8[%dma_start3A_18] : memref<7816xf32, #tpu.memory_space<vmem>> -> memref<7816xf32, #tpu.memory_space<vmem>>
    %dma_start3A_20 = tpu.memref_slice %arg3[%add3A_14] : memref<1000000xf32, #tpu.memory_space<hbm>> -> memref<7816xf32, #tpu.memory_space<hbm>>
    tpu.enqueue_dma source(%dma_start3A_20 : memref<7816xf32, #tpu.memory_space<hbm>>) target(%dma_start3A_19 : memref<7816xf32, #tpu.memory_space<vmem>>) target_semaphore(%arg11 : memref<!tpu.dma_semaphore, #tpu.memory_space<semaphore_mem>>)
    %scan3A = arith.constant 0 : i32
    %scan3A_21 = arith.constant 0 : i32
    %scan3A_22 = arith.constant 50 : i32
    %scan3A_23 = arith.addi %scan3A_21, %scan3A_22 : i32
    %scan3A_24 = arith.constant 1 : i32
    scf.for %scan3A_159 = %scan3A_21 to %scan3A_23 step %scan3A_24  : i32 {
      %mul3A_160 = arith.constant 512 : i32
      %mul3A_161 = arith.muli %scan3A_159, %mul3A_160 : i32
      %dma_start3A_162 = tpu.memref_slice %arg5[%mul3A_161] : memref<25600xi32, #tpu.memory_space<vmem>> -> memref<512xi32, #tpu.memory_space<vmem>>
      %dma_start3A_163 = tpu.memref_slice %arg2[%scan3A_159, %mul3A_2] : memref<50x16384xi32, #tpu.memory_space<hbm>> -> memref<1x512xi32, #tpu.memory_space<hbm>>
      %dma_start3A_164 = tpu.memref_squeeze %dma_start3A_163 : memref<1x512xi32, #tpu.memory_space<hbm>> -> memref<512xi32, #tpu.memory_space<hbm>>
      %dma_start3A_165 = tpu.memref_slice %arg5[%mul3A_161] : memref<25600xi32, #tpu.memory_space<vmem>> -> memref<512xi32, #tpu.memory_space<vmem>>
      %dma_start3A_166 = tpu.memref_slice %arg2[%scan3A_159, %mul3A_2] : memref<50x16384xi32, #tpu.memory_space<hbm>> -> memref<1x512xi32, #tpu.memory_space<hbm>>
      %dma_start3A_167 = tpu.memref_squeeze %dma_start3A_166 : memref<1x512xi32, #tpu.memory_space<hbm>> -> memref<512xi32, #tpu.memory_space<hbm>>
      tpu.enqueue_dma source(%dma_start3A_167 : memref<512xi32, #tpu.memory_space<hbm>>) target(%dma_start3A_165 : memref<512xi32, #tpu.memory_space<vmem>>) target_semaphore(%arg12 : memref<!tpu.dma_semaphore, #tpu.memory_space<semaphore_mem>>)
    }
    %scan3A_25 = arith.constant 50 : i32
    %dma_wait3A = arith.constant 0 : i32
    %dma_wait3A_26 = tpu.memref_slice %arg7[%dma_wait3A] : memref<7816xf32, #tpu.memory_space<vmem>> -> memref<7816xf32, #tpu.memory_space<vmem>>
    %dma_wait3A_27 = tpu.memref_slice %arg3[%add3A_7] : memref<1000000xf32, #tpu.memory_space<hbm>> -> memref<7816xf32, #tpu.memory_space<hbm>>
    %dma_wait3A_28 = arith.constant 0 : i32
    %dma_wait3A_29 = tpu.memref_slice %arg7[%dma_wait3A_28] : memref<7816xf32, #tpu.memory_space<vmem>> -> memref<7816xf32, #tpu.memory_space<vmem>>
    %dma_wait3A_30 = tpu.memref_slice %arg3[%add3A_7] : memref<1000000xf32, #tpu.memory_space<hbm>> -> memref<7816xf32, #tpu.memory_space<hbm>>
    tpu.wait_dma2 semaphore(%arg11 : memref<!tpu.dma_semaphore, #tpu.memory_space<semaphore_mem>>) src(%dma_wait3A_30 : memref<7816xf32, #tpu.memory_space<hbm>>) dst(%dma_wait3A_29 : memref<7816xf32, #tpu.memory_space<vmem>>)
    %add3A_31 = arith.constant 0 : i32
    %add3A_32 = arith.addi %multiple_of3A, %add3A_31 : i32
    "tpu.region"() ({
      %run_scoped3A = tpu.sem_alloc : memref<!tpu.dma_semaphore, #tpu.memory_space<semaphore_mem>>
      %dma_start3A_159 = arith.constant 0 : i32
      %dma_start3A_160 = tpu.memref_slice %arg7[%dma_start3A_159] : memref<7816xf32, #tpu.memory_space<vmem>> -> memref<7816xf32, #tpu.memory_space<vmem>>
      %dma_start3A_161 = tpu.memref_slice %arg9[%add3A_32] : memref<1000000xf32, #tpu.memory_space<vmem_shared>> -> memref<7816xf32, #tpu.memory_space<vmem_shared>>
      %dma_start3A_162 = tpu.memref_slice %arg9[%add3A_32] : memref<1000000xf32, #tpu.memory_space<vmem_shared>> -> memref<7816xf32, #tpu.memory_space<vmem_shared>>
      %dma_start3A_163 = arith.constant 0 : i32
      %dma_start3A_164 = tpu.memref_slice %arg7[%dma_start3A_163] : memref<7816xf32, #tpu.memory_space<vmem>> -> memref<7816xf32, #tpu.memory_space<vmem>>
      tpu.enqueue_dma source(%dma_start3A_164 : memref<7816xf32, #tpu.memory_space<vmem>>) target(%dma_start3A_162 : memref<7816xf32, #tpu.memory_space<vmem_shared>>) target_semaphore(%run_scoped3A : memref<!tpu.dma_semaphore, #tpu.memory_space<semaphore_mem>>)
      %dma_wait3A_165 = arith.constant 0 : i32
      %dma_wait3A_166 = tpu.memref_slice %arg7[%dma_wait3A_165] : memref<7816xf32, #tpu.memory_space<vmem>> -> memref<7816xf32, #tpu.memory_space<vmem>>
      %dma_wait3A_167 = tpu.memref_slice %arg9[%add3A_32] : memref<1000000xf32, #tpu.memory_space<vmem_shared>> -> memref<7816xf32, #tpu.memory_space<vmem_shared>>
      %dma_wait3A_168 = tpu.memref_slice %arg9[%add3A_32] : memref<1000000xf32, #tpu.memory_space<vmem_shared>> -> memref<7816xf32, #tpu.memory_space<vmem_shared>>
      %dma_wait3A_169 = arith.constant 0 : i32
      %dma_wait3A_170 = tpu.memref_slice %arg7[%dma_wait3A_169] : memref<7816xf32, #tpu.memory_space<vmem>> -> memref<7816xf32, #tpu.memory_space<vmem>>
      tpu.wait_dma2 semaphore(%run_scoped3A : memref<!tpu.dma_semaphore, #tpu.memory_space<semaphore_mem>>) src(%dma_wait3A_170 : memref<7816xf32, #tpu.memory_space<vmem>>) dst(%dma_wait3A_168 : memref<7816xf32, #tpu.memory_space<vmem_shared>>)
      tpu.yield
    }) : () -> ()
    %add3A_33 = arith.constant 15632 : i32
    %add3A_34 = arith.addi %multiple_of3A, %add3A_33 : i32
    %dma_start3A_35 = arith.constant 0 : i32
    %dma_start3A_36 = tpu.memref_slice %arg7[%dma_start3A_35] : memref<7816xf32, #tpu.memory_space<vmem>> -> memref<7816xf32, #tpu.memory_space<vmem>>
    %dma_start3A_37 = tpu.memref_slice %arg3[%add3A_34] : memref<1000000xf32, #tpu.memory_space<hbm>> -> memref<7816xf32, #tpu.memory_space<hbm>>
    %dma_start3A_38 = arith.constant 0 : i32
    %dma_start3A_39 = tpu.memref_slice %arg7[%dma_start3A_38] : memref<7816xf32, #tpu.memory_space<vmem>> -> memref<7816xf32, #tpu.memory_space<vmem>>
    %dma_start3A_40 = tpu.memref_slice %arg3[%add3A_34] : memref<1000000xf32, #tpu.memory_space<hbm>> -> memref<7816xf32, #tpu.memory_space<hbm>>
    tpu.enqueue_dma source(%dma_start3A_40 : memref<7816xf32, #tpu.memory_space<hbm>>) target(%dma_start3A_39 : memref<7816xf32, #tpu.memory_space<vmem>>) target_semaphore(%arg11 : memref<!tpu.dma_semaphore, #tpu.memory_space<semaphore_mem>>)
    %dma_wait3A_41 = arith.constant 0 : i32
    %dma_wait3A_42 = tpu.memref_slice %arg8[%dma_wait3A_41] : memref<7816xf32, #tpu.memory_space<vmem>> -> memref<7816xf32, #tpu.memory_space<vmem>>
    %dma_wait3A_43 = tpu.memref_slice %arg3[%add3A_14] : memref<1000000xf32, #tpu.memory_space<hbm>> -> memref<7816xf32, #tpu.memory_space<hbm>>
    %dma_wait3A_44 = arith.constant 0 : i32
    %dma_wait3A_45 = tpu.memref_slice %arg8[%dma_wait3A_44] : memref<7816xf32, #tpu.memory_space<vmem>> -> memref<7816xf32, #tpu.memory_space<vmem>>
    %dma_wait3A_46 = tpu.memref_slice %arg3[%add3A_14] : memref<1000000xf32, #tpu.memory_space<hbm>> -> memref<7816xf32, #tpu.memory_space<hbm>>
    tpu.wait_dma2 semaphore(%arg11 : memref<!tpu.dma_semaphore, #tpu.memory_space<semaphore_mem>>) src(%dma_wait3A_46 : memref<7816xf32, #tpu.memory_space<hbm>>) dst(%dma_wait3A_45 : memref<7816xf32, #tpu.memory_space<vmem>>)
    %add3A_47 = arith.constant 7816 : i32
    %add3A_48 = arith.addi %multiple_of3A, %add3A_47 : i32
    "tpu.region"() ({
      %run_scoped3A = tpu.sem_alloc : memref<!tpu.dma_semaphore, #tpu.memory_space<semaphore_mem>>
      %dma_start3A_159 = arith.constant 0 : i32
      %dma_start3A_160 = tpu.memref_slice %arg8[%dma_start3A_159] : memref<7816xf32, #tpu.memory_space<vmem>> -> memref<7816xf32, #tpu.memory_space<vmem>>
      %dma_start3A_161 = tpu.memref_slice %arg9[%add3A_48] : memref<1000000xf32, #tpu.memory_space<vmem_shared>> -> memref<7816xf32, #tpu.memory_space<vmem_shared>>
      %dma_start3A_162 = tpu.memref_slice %arg9[%add3A_48] : memref<1000000xf32, #tpu.memory_space<vmem_shared>> -> memref<7816xf32, #tpu.memory_space<vmem_shared>>
      %dma_start3A_163 = arith.constant 0 : i32
      %dma_start3A_164 = tpu.memref_slice %arg8[%dma_start3A_163] : memref<7816xf32, #tpu.memory_space<vmem>> -> memref<7816xf32, #tpu.memory_space<vmem>>
      tpu.enqueue_dma source(%dma_start3A_164 : memref<7816xf32, #tpu.memory_space<vmem>>) target(%dma_start3A_162 : memref<7816xf32, #tpu.memory_space<vmem_shared>>) target_semaphore(%run_scoped3A : memref<!tpu.dma_semaphore, #tpu.memory_space<semaphore_mem>>)
      %dma_wait3A_165 = arith.constant 0 : i32
      %dma_wait3A_166 = tpu.memref_slice %arg8[%dma_wait3A_165] : memref<7816xf32, #tpu.memory_space<vmem>> -> memref<7816xf32, #tpu.memory_space<vmem>>
      %dma_wait3A_167 = tpu.memref_slice %arg9[%add3A_48] : memref<1000000xf32, #tpu.memory_space<vmem_shared>> -> memref<7816xf32, #tpu.memory_space<vmem_shared>>
      %dma_wait3A_168 = tpu.memref_slice %arg9[%add3A_48] : memref<1000000xf32, #tpu.memory_space<vmem_shared>> -> memref<7816xf32, #tpu.memory_space<vmem_shared>>
      %dma_wait3A_169 = arith.constant 0 : i32
      %dma_wait3A_170 = tpu.memref_slice %arg8[%dma_wait3A_169] : memref<7816xf32, #tpu.memory_space<vmem>> -> memref<7816xf32, #tpu.memory_space<vmem>>
      tpu.wait_dma2 semaphore(%run_scoped3A : memref<!tpu.dma_semaphore, #tpu.memory_space<semaphore_mem>>) src(%dma_wait3A_170 : memref<7816xf32, #tpu.memory_space<vmem>>) dst(%dma_wait3A_168 : memref<7816xf32, #tpu.memory_space<vmem_shared>>)
      tpu.yield
    }) : () -> ()
    %add3A_49 = arith.constant 23448 : i32
    %add3A_50 = arith.addi %multiple_of3A, %add3A_49 : i32
    %dma_start3A_51 = arith.constant 0 : i32
    %dma_start3A_52 = tpu.memref_slice %arg8[%dma_start3A_51] : memref<7816xf32, #tpu.memory_space<vmem>> -> memref<7816xf32, #tpu.memory_space<vmem>>
    %dma_start3A_53 = tpu.memref_slice %arg3[%add3A_50] : memref<1000000xf32, #tpu.memory_space<hbm>> -> memref<7816xf32, #tpu.memory_space<hbm>>
    %dma_start3A_54 = arith.constant 0 : i32
    %dma_start3A_55 = tpu.memref_slice %arg8[%dma_start3A_54] : memref<7816xf32, #tpu.memory_space<vmem>> -> memref<7816xf32, #tpu.memory_space<vmem>>
    %dma_start3A_56 = tpu.memref_slice %arg3[%add3A_50] : memref<1000000xf32, #tpu.memory_space<hbm>> -> memref<7816xf32, #tpu.memory_space<hbm>>
    tpu.enqueue_dma source(%dma_start3A_56 : memref<7816xf32, #tpu.memory_space<hbm>>) target(%dma_start3A_55 : memref<7816xf32, #tpu.memory_space<vmem>>) target_semaphore(%arg11 : memref<!tpu.dma_semaphore, #tpu.memory_space<semaphore_mem>>)
    %dma_wait3A_57 = arith.constant 0 : i32
    %dma_wait3A_58 = tpu.memref_slice %arg7[%dma_wait3A_57] : memref<7816xf32, #tpu.memory_space<vmem>> -> memref<7816xf32, #tpu.memory_space<vmem>>
    %dma_wait3A_59 = tpu.memref_slice %arg3[%add3A_34] : memref<1000000xf32, #tpu.memory_space<hbm>> -> memref<7816xf32, #tpu.memory_space<hbm>>
    %dma_wait3A_60 = arith.constant 0 : i32
    %dma_wait3A_61 = tpu.memref_slice %arg7[%dma_wait3A_60] : memref<7816xf32, #tpu.memory_space<vmem>> -> memref<7816xf32, #tpu.memory_space<vmem>>
    %dma_wait3A_62 = tpu.memref_slice %arg3[%add3A_34] : memref<1000000xf32, #tpu.memory_space<hbm>> -> memref<7816xf32, #tpu.memory_space<hbm>>
    tpu.wait_dma2 semaphore(%arg11 : memref<!tpu.dma_semaphore, #tpu.memory_space<semaphore_mem>>) src(%dma_wait3A_62 : memref<7816xf32, #tpu.memory_space<hbm>>) dst(%dma_wait3A_61 : memref<7816xf32, #tpu.memory_space<vmem>>)
    %add3A_63 = arith.constant 15632 : i32
    %add3A_64 = arith.addi %multiple_of3A, %add3A_63 : i32
    "tpu.region"() ({
      %run_scoped3A = tpu.sem_alloc : memref<!tpu.dma_semaphore, #tpu.memory_space<semaphore_mem>>
      %dma_start3A_159 = arith.constant 0 : i32
      %dma_start3A_160 = tpu.memref_slice %arg7[%dma_start3A_159] : memref<7816xf32, #tpu.memory_space<vmem>> -> memref<7816xf32, #tpu.memory_space<vmem>>
      %dma_start3A_161 = tpu.memref_slice %arg9[%add3A_64] : memref<1000000xf32, #tpu.memory_space<vmem_shared>> -> memref<7816xf32, #tpu.memory_space<vmem_shared>>
      %dma_start3A_162 = tpu.memref_slice %arg9[%add3A_64] : memref<1000000xf32, #tpu.memory_space<vmem_shared>> -> memref<7816xf32, #tpu.memory_space<vmem_shared>>
      %dma_start3A_163 = arith.constant 0 : i32
      %dma_start3A_164 = tpu.memref_slice %arg7[%dma_start3A_163] : memref<7816xf32, #tpu.memory_space<vmem>> -> memref<7816xf32, #tpu.memory_space<vmem>>
      tpu.enqueue_dma source(%dma_start3A_164 : memref<7816xf32, #tpu.memory_space<vmem>>) target(%dma_start3A_162 : memref<7816xf32, #tpu.memory_space<vmem_shared>>) target_semaphore(%run_scoped3A : memref<!tpu.dma_semaphore, #tpu.memory_space<semaphore_mem>>)
      %dma_wait3A_165 = arith.constant 0 : i32
      %dma_wait3A_166 = tpu.memref_slice %arg7[%dma_wait3A_165] : memref<7816xf32, #tpu.memory_space<vmem>> -> memref<7816xf32, #tpu.memory_space<vmem>>
      %dma_wait3A_167 = tpu.memref_slice %arg9[%add3A_64] : memref<1000000xf32, #tpu.memory_space<vmem_shared>> -> memref<7816xf32, #tpu.memory_space<vmem_shared>>
      %dma_wait3A_168 = tpu.memref_slice %arg9[%add3A_64] : memref<1000000xf32, #tpu.memory_space<vmem_shared>> -> memref<7816xf32, #tpu.memory_space<vmem_shared>>
      %dma_wait3A_169 = arith.constant 0 : i32
      %dma_wait3A_170 = tpu.memref_slice %arg7[%dma_wait3A_169] : memref<7816xf32, #tpu.memory_space<vmem>> -> memref<7816xf32, #tpu.memory_space<vmem>>
      tpu.wait_dma2 semaphore(%run_scoped3A : memref<!tpu.dma_semaphore, #tpu.memory_space<semaphore_mem>>) src(%dma_wait3A_170 : memref<7816xf32, #tpu.memory_space<vmem>>) dst(%dma_wait3A_168 : memref<7816xf32, #tpu.memory_space<vmem_shared>>)
      tpu.yield
    }) : () -> ()
    %add3A_65 = arith.constant 31264 : i32
    %add3A_66 = arith.addi %multiple_of3A, %add3A_65 : i32
    %dma_start3A_67 = arith.constant 0 : i32
    %dma_start3A_68 = tpu.memref_slice %arg7[%dma_start3A_67] : memref<7816xf32, #tpu.memory_space<vmem>> -> memref<7816xf32, #tpu.memory_space<vmem>>
    %dma_start3A_69 = tpu.memref_slice %arg3[%add3A_66] : memref<1000000xf32, #tpu.memory_space<hbm>> -> memref<7816xf32, #tpu.memory_space<hbm>>
    %dma_start3A_70 = arith.constant 0 : i32
    %dma_start3A_71 = tpu.memref_slice %arg7[%dma_start3A_70] : memref<7816xf32, #tpu.memory_space<vmem>> -> memref<7816xf32, #tpu.memory_space<vmem>>
    %dma_start3A_72 = tpu.memref_slice %arg3[%add3A_66] : memref<1000000xf32, #tpu.memory_space<hbm>> -> memref<7816xf32, #tpu.memory_space<hbm>>
    tpu.enqueue_dma source(%dma_start3A_72 : memref<7816xf32, #tpu.memory_space<hbm>>) target(%dma_start3A_71 : memref<7816xf32, #tpu.memory_space<vmem>>) target_semaphore(%arg11 : memref<!tpu.dma_semaphore, #tpu.memory_space<semaphore_mem>>)
    %dma_wait3A_73 = arith.constant 0 : i32
    %dma_wait3A_74 = tpu.memref_slice %arg8[%dma_wait3A_73] : memref<7816xf32, #tpu.memory_space<vmem>> -> memref<7816xf32, #tpu.memory_space<vmem>>
    %dma_wait3A_75 = tpu.memref_slice %arg3[%add3A_50] : memref<1000000xf32, #tpu.memory_space<hbm>> -> memref<7816xf32, #tpu.memory_space<hbm>>
    %dma_wait3A_76 = arith.constant 0 : i32
    %dma_wait3A_77 = tpu.memref_slice %arg8[%dma_wait3A_76] : memref<7816xf32, #tpu.memory_space<vmem>> -> memref<7816xf32, #tpu.memory_space<vmem>>
    %dma_wait3A_78 = tpu.memref_slice %arg3[%add3A_50] : memref<1000000xf32, #tpu.memory_space<hbm>> -> memref<7816xf32, #tpu.memory_space<hbm>>
    tpu.wait_dma2 semaphore(%arg11 : memref<!tpu.dma_semaphore, #tpu.memory_space<semaphore_mem>>) src(%dma_wait3A_78 : memref<7816xf32, #tpu.memory_space<hbm>>) dst(%dma_wait3A_77 : memref<7816xf32, #tpu.memory_space<vmem>>)
    %add3A_79 = arith.constant 23448 : i32
    %add3A_80 = arith.addi %multiple_of3A, %add3A_79 : i32
    "tpu.region"() ({
      %run_scoped3A = tpu.sem_alloc : memref<!tpu.dma_semaphore, #tpu.memory_space<semaphore_mem>>
      %dma_start3A_159 = arith.constant 0 : i32
      %dma_start3A_160 = tpu.memref_slice %arg8[%dma_start3A_159] : memref<7816xf32, #tpu.memory_space<vmem>> -> memref<7816xf32, #tpu.memory_space<vmem>>
      %dma_start3A_161 = tpu.memref_slice %arg9[%add3A_80] : memref<1000000xf32, #tpu.memory_space<vmem_shared>> -> memref<7816xf32, #tpu.memory_space<vmem_shared>>
      %dma_start3A_162 = tpu.memref_slice %arg9[%add3A_80] : memref<1000000xf32, #tpu.memory_space<vmem_shared>> -> memref<7816xf32, #tpu.memory_space<vmem_shared>>
      %dma_start3A_163 = arith.constant 0 : i32
      %dma_start3A_164 = tpu.memref_slice %arg8[%dma_start3A_163] : memref<7816xf32, #tpu.memory_space<vmem>> -> memref<7816xf32, #tpu.memory_space<vmem>>
      tpu.enqueue_dma source(%dma_start3A_164 : memref<7816xf32, #tpu.memory_space<vmem>>) target(%dma_start3A_162 : memref<7816xf32, #tpu.memory_space<vmem_shared>>) target_semaphore(%run_scoped3A : memref<!tpu.dma_semaphore, #tpu.memory_space<semaphore_mem>>)
      %dma_wait3A_165 = arith.constant 0 : i32
      %dma_wait3A_166 = tpu.memref_slice %arg8[%dma_wait3A_165] : memref<7816xf32, #tpu.memory_space<vmem>> -> memref<7816xf32, #tpu.memory_space<vmem>>
      %dma_wait3A_167 = tpu.memref_slice %arg9[%add3A_80] : memref<1000000xf32, #tpu.memory_space<vmem_shared>> -> memref<7816xf32, #tpu.memory_space<vmem_shared>>
      %dma_wait3A_168 = tpu.memref_slice %arg9[%add3A_80] : memref<1000000xf32, #tpu.memory_space<vmem_shared>> -> memref<7816xf32, #tpu.memory_space<vmem_shared>>
      %dma_wait3A_169 = arith.constant 0 : i32
      %dma_wait3A_170 = tpu.memref_slice %arg8[%dma_wait3A_169] : memref<7816xf32, #tpu.memory_space<vmem>> -> memref<7816xf32, #tpu.memory_space<vmem>>
      tpu.wait_dma2 semaphore(%run_scoped3A : memref<!tpu.dma_semaphore, #tpu.memory_space<semaphore_mem>>) src(%dma_wait3A_170 : memref<7816xf32, #tpu.memory_space<vmem>>) dst(%dma_wait3A_168 : memref<7816xf32, #tpu.memory_space<vmem_shared>>)
      tpu.yield
    }) : () -> ()
    %add3A_81 = arith.constant 39080 : i32
    %add3A_82 = arith.addi %multiple_of3A, %add3A_81 : i32
    %dma_start3A_83 = arith.constant 0 : i32
    %dma_start3A_84 = tpu.memref_slice %arg8[%dma_start3A_83] : memref<7816xf32, #tpu.memory_space<vmem>> -> memref<7816xf32, #tpu.memory_space<vmem>>
    %dma_start3A_85 = tpu.memref_slice %arg3[%add3A_82] : memref<1000000xf32, #tpu.memory_space<hbm>> -> memref<7816xf32, #tpu.memory_space<hbm>>
    %dma_start3A_86 = arith.constant 0 : i32
    %dma_start3A_87 = tpu.memref_slice %arg8[%dma_start3A_86] : memref<7816xf32, #tpu.memory_space<vmem>> -> memref<7816xf32, #tpu.memory_space<vmem>>
    %dma_start3A_88 = tpu.memref_slice %arg3[%add3A_82] : memref<1000000xf32, #tpu.memory_space<hbm>> -> memref<7816xf32, #tpu.memory_space<hbm>>
    tpu.enqueue_dma source(%dma_start3A_88 : memref<7816xf32, #tpu.memory_space<hbm>>) target(%dma_start3A_87 : memref<7816xf32, #tpu.memory_space<vmem>>) target_semaphore(%arg11 : memref<!tpu.dma_semaphore, #tpu.memory_space<semaphore_mem>>)
    %dma_wait3A_89 = arith.constant 0 : i32
    %dma_wait3A_90 = tpu.memref_slice %arg7[%dma_wait3A_89] : memref<7816xf32, #tpu.memory_space<vmem>> -> memref<7816xf32, #tpu.memory_space<vmem>>
    %dma_wait3A_91 = tpu.memref_slice %arg3[%add3A_66] : memref<1000000xf32, #tpu.memory_space<hbm>> -> memref<7816xf32, #tpu.memory_space<hbm>>
    %dma_wait3A_92 = arith.constant 0 : i32
    %dma_wait3A_93 = tpu.memref_slice %arg7[%dma_wait3A_92] : memref<7816xf32, #tpu.memory_space<vmem>> -> memref<7816xf32, #tpu.memory_space<vmem>>
    %dma_wait3A_94 = tpu.memref_slice %arg3[%add3A_66] : memref<1000000xf32, #tpu.memory_space<hbm>> -> memref<7816xf32, #tpu.memory_space<hbm>>
    tpu.wait_dma2 semaphore(%arg11 : memref<!tpu.dma_semaphore, #tpu.memory_space<semaphore_mem>>) src(%dma_wait3A_94 : memref<7816xf32, #tpu.memory_space<hbm>>) dst(%dma_wait3A_93 : memref<7816xf32, #tpu.memory_space<vmem>>)
    %add3A_95 = arith.constant 31264 : i32
    %add3A_96 = arith.addi %multiple_of3A, %add3A_95 : i32
    "tpu.region"() ({
      %run_scoped3A = tpu.sem_alloc : memref<!tpu.dma_semaphore, #tpu.memory_space<semaphore_mem>>
      %dma_start3A_159 = arith.constant 0 : i32
      %dma_start3A_160 = tpu.memref_slice %arg7[%dma_start3A_159] : memref<7816xf32, #tpu.memory_space<vmem>> -> memref<7816xf32, #tpu.memory_space<vmem>>
      %dma_start3A_161 = tpu.memref_slice %arg9[%add3A_96] : memref<1000000xf32, #tpu.memory_space<vmem_shared>> -> memref<7816xf32, #tpu.memory_space<vmem_shared>>
      %dma_start3A_162 = tpu.memref_slice %arg9[%add3A_96] : memref<1000000xf32, #tpu.memory_space<vmem_shared>> -> memref<7816xf32, #tpu.memory_space<vmem_shared>>
      %dma_start3A_163 = arith.constant 0 : i32
      %dma_start3A_164 = tpu.memref_slice %arg7[%dma_start3A_163] : memref<7816xf32, #tpu.memory_space<vmem>> -> memref<7816xf32, #tpu.memory_space<vmem>>
      tpu.enqueue_dma source(%dma_start3A_164 : memref<7816xf32, #tpu.memory_space<vmem>>) target(%dma_start3A_162 : memref<7816xf32, #tpu.memory_space<vmem_shared>>) target_semaphore(%run_scoped3A : memref<!tpu.dma_semaphore, #tpu.memory_space<semaphore_mem>>)
      %dma_wait3A_165 = arith.constant 0 : i32
      %dma_wait3A_166 = tpu.memref_slice %arg7[%dma_wait3A_165] : memref<7816xf32, #tpu.memory_space<vmem>> -> memref<7816xf32, #tpu.memory_space<vmem>>
      %dma_wait3A_167 = tpu.memref_slice %arg9[%add3A_96] : memref<1000000xf32, #tpu.memory_space<vmem_shared>> -> memref<7816xf32, #tpu.memory_space<vmem_shared>>
      %dma_wait3A_168 = tpu.memref_slice %arg9[%add3A_96] : memref<1000000xf32, #tpu.memory_space<vmem_shared>> -> memref<7816xf32, #tpu.memory_space<vmem_shared>>
      %dma_wait3A_169 = arith.constant 0 : i32
      %dma_wait3A_170 = tpu.memref_slice %arg7[%dma_wait3A_169] : memref<7816xf32, #tpu.memory_space<vmem>> -> memref<7816xf32, #tpu.memory_space<vmem>>
      tpu.wait_dma2 semaphore(%run_scoped3A : memref<!tpu.dma_semaphore, #tpu.memory_space<semaphore_mem>>) src(%dma_wait3A_170 : memref<7816xf32, #tpu.memory_space<vmem>>) dst(%dma_wait3A_168 : memref<7816xf32, #tpu.memory_space<vmem_shared>>)
      tpu.yield
    }) : () -> ()
    %add3A_97 = arith.constant 46896 : i32
    %add3A_98 = arith.addi %multiple_of3A, %add3A_97 : i32
    %dma_start3A_99 = arith.constant 0 : i32
    %dma_start3A_100 = tpu.memref_slice %arg7[%dma_start3A_99] : memref<7816xf32, #tpu.memory_space<vmem>> -> memref<7816xf32, #tpu.memory_space<vmem>>
    %dma_start3A_101 = tpu.memref_slice %arg3[%add3A_98] : memref<1000000xf32, #tpu.memory_space<hbm>> -> memref<7816xf32, #tpu.memory_space<hbm>>
    %dma_start3A_102 = arith.constant 0 : i32
    %dma_start3A_103 = tpu.memref_slice %arg7[%dma_start3A_102] : memref<7816xf32, #tpu.memory_space<vmem>> -> memref<7816xf32, #tpu.memory_space<vmem>>
    %dma_start3A_104 = tpu.memref_slice %arg3[%add3A_98] : memref<1000000xf32, #tpu.memory_space<hbm>> -> memref<7816xf32, #tpu.memory_space<hbm>>
    tpu.enqueue_dma source(%dma_start3A_104 : memref<7816xf32, #tpu.memory_space<hbm>>) target(%dma_start3A_103 : memref<7816xf32, #tpu.memory_space<vmem>>) target_semaphore(%arg11 : memref<!tpu.dma_semaphore, #tpu.memory_space<semaphore_mem>>)
    %dma_wait3A_105 = arith.constant 0 : i32
    %dma_wait3A_106 = tpu.memref_slice %arg8[%dma_wait3A_105] : memref<7816xf32, #tpu.memory_space<vmem>> -> memref<7816xf32, #tpu.memory_space<vmem>>
    %dma_wait3A_107 = tpu.memref_slice %arg3[%add3A_82] : memref<1000000xf32, #tpu.memory_space<hbm>> -> memref<7816xf32, #tpu.memory_space<hbm>>
    %dma_wait3A_108 = arith.constant 0 : i32
    %dma_wait3A_109 = tpu.memref_slice %arg8[%dma_wait3A_108] : memref<7816xf32, #tpu.memory_space<vmem>> -> memref<7816xf32, #tpu.memory_space<vmem>>
    %dma_wait3A_110 = tpu.memref_slice %arg3[%add3A_82] : memref<1000000xf32, #tpu.memory_space<hbm>> -> memref<7816xf32, #tpu.memory_space<hbm>>
    tpu.wait_dma2 semaphore(%arg11 : memref<!tpu.dma_semaphore, #tpu.memory_space<semaphore_mem>>) src(%dma_wait3A_110 : memref<7816xf32, #tpu.memory_space<hbm>>) dst(%dma_wait3A_109 : memref<7816xf32, #tpu.memory_space<vmem>>)
    %add3A_111 = arith.constant 39080 : i32
    %add3A_112 = arith.addi %multiple_of3A, %add3A_111 : i32
    "tpu.region"() ({
      %run_scoped3A = tpu.sem_alloc : memref<!tpu.dma_semaphore, #tpu.memory_space<semaphore_mem>>
      %dma_start3A_159 = arith.constant 0 : i32
      %dma_start3A_160 = tpu.memref_slice %arg8[%dma_start3A_159] : memref<7816xf32, #tpu.memory_space<vmem>> -> memref<7816xf32, #tpu.memory_space<vmem>>
      %dma_start3A_161 = tpu.memref_slice %arg9[%add3A_112] : memref<1000000xf32, #tpu.memory_space<vmem_shared>> -> memref<7816xf32, #tpu.memory_space<vmem_shared>>
      %dma_start3A_162 = tpu.memref_slice %arg9[%add3A_112] : memref<1000000xf32, #tpu.memory_space<vmem_shared>> -> memref<7816xf32, #tpu.memory_space<vmem_shared>>
      %dma_start3A_163 = arith.constant 0 : i32
      %dma_start3A_164 = tpu.memref_slice %arg8[%dma_start3A_163] : memref<7816xf32, #tpu.memory_space<vmem>> -> memref<7816xf32, #tpu.memory_space<vmem>>
      tpu.enqueue_dma source(%dma_start3A_164 : memref<7816xf32, #tpu.memory_space<vmem>>) target(%dma_start3A_162 : memref<7816xf32, #tpu.memory_space<vmem_shared>>) target_semaphore(%run_scoped3A : memref<!tpu.dma_semaphore, #tpu.memory_space<semaphore_mem>>)
      %dma_wait3A_165 = arith.constant 0 : i32
      %dma_wait3A_166 = tpu.memref_slice %arg8[%dma_wait3A_165] : memref<7816xf32, #tpu.memory_space<vmem>> -> memref<7816xf32, #tpu.memory_space<vmem>>
      %dma_wait3A_167 = tpu.memref_slice %arg9[%add3A_112] : memref<1000000xf32, #tpu.memory_space<vmem_shared>> -> memref<7816xf32, #tpu.memory_space<vmem_shared>>
      %dma_wait3A_168 = tpu.memref_slice %arg9[%add3A_112] : memref<1000000xf32, #tpu.memory_space<vmem_shared>> -> memref<7816xf32, #tpu.memory_space<vmem_shared>>
      %dma_wait3A_169 = arith.constant 0 : i32
      %dma_wait3A_170 = tpu.memref_slice %arg8[%dma_wait3A_169] : memref<7816xf32, #tpu.memory_space<vmem>> -> memref<7816xf32, #tpu.memory_space<vmem>>
      tpu.wait_dma2 semaphore(%run_scoped3A : memref<!tpu.dma_semaphore, #tpu.memory_space<semaphore_mem>>) src(%dma_wait3A_170 : memref<7816xf32, #tpu.memory_space<vmem>>) dst(%dma_wait3A_168 : memref<7816xf32, #tpu.memory_space<vmem_shared>>)
      tpu.yield
    }) : () -> ()
    %add3A_113 = arith.constant 54712 : i32
    %add3A_114 = arith.addi %multiple_of3A, %add3A_113 : i32
    %dma_start3A_115 = arith.constant 0 : i32
    %dma_start3A_116 = tpu.memref_slice %arg8[%dma_start3A_115] : memref<7816xf32, #tpu.memory_space<vmem>> -> memref<7792xf32, #tpu.memory_space<vmem>>
    %dma_start3A_117 = tpu.memref_slice %arg3[%add3A_114] : memref<1000000xf32, #tpu.memory_space<hbm>> -> memref<7792xf32, #tpu.memory_space<hbm>>
    %dma_start3A_118 = arith.constant 0 : i32
    %dma_start3A_119 = tpu.memref_slice %arg8[%dma_start3A_118] : memref<7816xf32, #tpu.memory_space<vmem>> -> memref<7792xf32, #tpu.memory_space<vmem>>
    %dma_start3A_120 = tpu.memref_slice %arg3[%add3A_114] : memref<1000000xf32, #tpu.memory_space<hbm>> -> memref<7792xf32, #tpu.memory_space<hbm>>
    tpu.enqueue_dma source(%dma_start3A_120 : memref<7792xf32, #tpu.memory_space<hbm>>) target(%dma_start3A_119 : memref<7792xf32, #tpu.memory_space<vmem>>) target_semaphore(%arg11 : memref<!tpu.dma_semaphore, #tpu.memory_space<semaphore_mem>>)
    %dma_wait3A_121 = arith.constant 0 : i32
    %dma_wait3A_122 = tpu.memref_slice %arg7[%dma_wait3A_121] : memref<7816xf32, #tpu.memory_space<vmem>> -> memref<7816xf32, #tpu.memory_space<vmem>>
    %dma_wait3A_123 = tpu.memref_slice %arg3[%add3A_98] : memref<1000000xf32, #tpu.memory_space<hbm>> -> memref<7816xf32, #tpu.memory_space<hbm>>
    %dma_wait3A_124 = arith.constant 0 : i32
    %dma_wait3A_125 = tpu.memref_slice %arg7[%dma_wait3A_124] : memref<7816xf32, #tpu.memory_space<vmem>> -> memref<7816xf32, #tpu.memory_space<vmem>>
    %dma_wait3A_126 = tpu.memref_slice %arg3[%add3A_98] : memref<1000000xf32, #tpu.memory_space<hbm>> -> memref<7816xf32, #tpu.memory_space<hbm>>
    tpu.wait_dma2 semaphore(%arg11 : memref<!tpu.dma_semaphore, #tpu.memory_space<semaphore_mem>>) src(%dma_wait3A_126 : memref<7816xf32, #tpu.memory_space<hbm>>) dst(%dma_wait3A_125 : memref<7816xf32, #tpu.memory_space<vmem>>)
    %add3A_127 = arith.constant 46896 : i32
    %add3A_128 = arith.addi %multiple_of3A, %add3A_127 : i32
    "tpu.region"() ({
      %run_scoped3A = tpu.sem_alloc : memref<!tpu.dma_semaphore, #tpu.memory_space<semaphore_mem>>
      %dma_start3A_159 = arith.constant 0 : i32
      %dma_start3A_160 = tpu.memref_slice %arg7[%dma_start3A_159] : memref<7816xf32, #tpu.memory_space<vmem>> -> memref<7816xf32, #tpu.memory_space<vmem>>
      %dma_start3A_161 = tpu.memref_slice %arg9[%add3A_128] : memref<1000000xf32, #tpu.memory_space<vmem_shared>> -> memref<7816xf32, #tpu.memory_space<vmem_shared>>
      %dma_start3A_162 = tpu.memref_slice %arg9[%add3A_128] : memref<1000000xf32, #tpu.memory_space<vmem_shared>> -> memref<7816xf32, #tpu.memory_space<vmem_shared>>
      %dma_start3A_163 = arith.constant 0 : i32
      %dma_start3A_164 = tpu.memref_slice %arg7[%dma_start3A_163] : memref<7816xf32, #tpu.memory_space<vmem>> -> memref<7816xf32, #tpu.memory_space<vmem>>
      tpu.enqueue_dma source(%dma_start3A_164 : memref<7816xf32, #tpu.memory_space<vmem>>) target(%dma_start3A_162 : memref<7816xf32, #tpu.memory_space<vmem_shared>>) target_semaphore(%run_scoped3A : memref<!tpu.dma_semaphore, #tpu.memory_space<semaphore_mem>>)
      %dma_wait3A_165 = arith.constant 0 : i32
      %dma_wait3A_166 = tpu.memref_slice %arg7[%dma_wait3A_165] : memref<7816xf32, #tpu.memory_space<vmem>> -> memref<7816xf32, #tpu.memory_space<vmem>>
      %dma_wait3A_167 = tpu.memref_slice %arg9[%add3A_128] : memref<1000000xf32, #tpu.memory_space<vmem_shared>> -> memref<7816xf32, #tpu.memory_space<vmem_shared>>
      %dma_wait3A_168 = tpu.memref_slice %arg9[%add3A_128] : memref<1000000xf32, #tpu.memory_space<vmem_shared>> -> memref<7816xf32, #tpu.memory_space<vmem_shared>>
      %dma_wait3A_169 = arith.constant 0 : i32
      %dma_wait3A_170 = tpu.memref_slice %arg7[%dma_wait3A_169] : memref<7816xf32, #tpu.memory_space<vmem>> -> memref<7816xf32, #tpu.memory_space<vmem>>
      tpu.wait_dma2 semaphore(%run_scoped3A : memref<!tpu.dma_semaphore, #tpu.memory_space<semaphore_mem>>) src(%dma_wait3A_170 : memref<7816xf32, #tpu.memory_space<vmem>>) dst(%dma_wait3A_168 : memref<7816xf32, #tpu.memory_space<vmem_shared>>)
      tpu.yield
    }) : () -> ()
    %dma_wait3A_129 = arith.constant 0 : i32
    %dma_wait3A_130 = tpu.memref_slice %arg8[%dma_wait3A_129] : memref<7816xf32, #tpu.memory_space<vmem>> -> memref<7792xf32, #tpu.memory_space<vmem>>
    %dma_wait3A_131 = tpu.memref_slice %arg3[%add3A_114] : memref<1000000xf32, #tpu.memory_space<hbm>> -> memref<7792xf32, #tpu.memory_space<hbm>>
    %dma_wait3A_132 = arith.constant 0 : i32
    %dma_wait3A_133 = tpu.memref_slice %arg8[%dma_wait3A_132] : memref<7816xf32, #tpu.memory_space<vmem>> -> memref<7792xf32, #tpu.memory_space<vmem>>
    %dma_wait3A_134 = tpu.memref_slice %arg3[%add3A_114] : memref<1000000xf32, #tpu.memory_space<hbm>> -> memref<7792xf32, #tpu.memory_space<hbm>>
    tpu.wait_dma2 semaphore(%arg11 : memref<!tpu.dma_semaphore, #tpu.memory_space<semaphore_mem>>) src(%dma_wait3A_134 : memref<7792xf32, #tpu.memory_space<hbm>>) dst(%dma_wait3A_133 : memref<7792xf32, #tpu.memory_space<vmem>>)
    %add3A_135 = arith.constant 54712 : i32
    %add3A_136 = arith.addi %multiple_of3A, %add3A_135 : i32
    "tpu.region"() ({
      %run_scoped3A = tpu.sem_alloc : memref<!tpu.dma_semaphore, #tpu.memory_space<semaphore_mem>>
      %dma_start3A_159 = arith.constant 0 : i32
      %dma_start3A_160 = tpu.memref_slice %arg8[%dma_start3A_159] : memref<7816xf32, #tpu.memory_space<vmem>> -> memref<7792xf32, #tpu.memory_space<vmem>>
      %dma_start3A_161 = tpu.memref_slice %arg9[%add3A_136] : memref<1000000xf32, #tpu.memory_space<vmem_shared>> -> memref<7792xf32, #tpu.memory_space<vmem_shared>>
      %dma_start3A_162 = tpu.memref_slice %arg9[%add3A_136] : memref<1000000xf32, #tpu.memory_space<vmem_shared>> -> memref<7792xf32, #tpu.memory_space<vmem_shared>>
      %dma_start3A_163 = arith.constant 0 : i32
      %dma_start3A_164 = tpu.memref_slice %arg8[%dma_start3A_163] : memref<7816xf32, #tpu.memory_space<vmem>> -> memref<7792xf32, #tpu.memory_space<vmem>>
      tpu.enqueue_dma source(%dma_start3A_164 : memref<7792xf32, #tpu.memory_space<vmem>>) target(%dma_start3A_162 : memref<7792xf32, #tpu.memory_space<vmem_shared>>) target_semaphore(%run_scoped3A : memref<!tpu.dma_semaphore, #tpu.memory_space<semaphore_mem>>)
      %dma_wait3A_165 = arith.constant 0 : i32
      %dma_wait3A_166 = tpu.memref_slice %arg8[%dma_wait3A_165] : memref<7816xf32, #tpu.memory_space<vmem>> -> memref<7792xf32, #tpu.memory_space<vmem>>
      %dma_wait3A_167 = tpu.memref_slice %arg9[%add3A_136] : memref<1000000xf32, #tpu.memory_space<vmem_shared>> -> memref<7792xf32, #tpu.memory_space<vmem_shared>>
      %dma_wait3A_168 = tpu.memref_slice %arg9[%add3A_136] : memref<1000000xf32, #tpu.memory_space<vmem_shared>> -> memref<7792xf32, #tpu.memory_space<vmem_shared>>
      %dma_wait3A_169 = arith.constant 0 : i32
      %dma_wait3A_170 = tpu.memref_slice %arg8[%dma_wait3A_169] : memref<7816xf32, #tpu.memory_space<vmem>> -> memref<7792xf32, #tpu.memory_space<vmem>>
      tpu.wait_dma2 semaphore(%run_scoped3A : memref<!tpu.dma_semaphore, #tpu.memory_space<semaphore_mem>>) src(%dma_wait3A_170 : memref<7792xf32, #tpu.memory_space<vmem>>) dst(%dma_wait3A_168 : memref<7792xf32, #tpu.memory_space<vmem_shared>>)
      tpu.yield
    }) : () -> ()
    %scan3A_137 = arith.constant 0 : i32
    %scan3A_138 = arith.constant 0 : i32
    %scan3A_139 = arith.constant 50 : i32
    %scan3A_140 = arith.addi %scan3A_138, %scan3A_139 : i32
    %scan3A_141 = arith.constant 1 : i32
    scf.for %scan3A_159 = %scan3A_138 to %scan3A_140 step %scan3A_141  : i32 {
      %mul3A_160 = arith.constant 512 : i32
      %mul3A_161 = arith.muli %scan3A_159, %mul3A_160 : i32
      %dma_wait3A_162 = tpu.memref_slice %arg5[%mul3A_161] : memref<25600xi32, #tpu.memory_space<vmem>> -> memref<512xi32, #tpu.memory_space<vmem>>
      %dma_wait3A_163 = tpu.memref_slice %arg2[%scan3A_159, %mul3A_2] : memref<50x16384xi32, #tpu.memory_space<hbm>> -> memref<1x512xi32, #tpu.memory_space<hbm>>
      %dma_wait3A_164 = tpu.memref_squeeze %dma_wait3A_163 : memref<1x512xi32, #tpu.memory_space<hbm>> -> memref<512xi32, #tpu.memory_space<hbm>>
      %dma_wait3A_165 = tpu.memref_slice %arg5[%mul3A_161] : memref<25600xi32, #tpu.memory_space<vmem>> -> memref<512xi32, #tpu.memory_space<vmem>>
      %dma_wait3A_166 = tpu.memref_slice %arg2[%scan3A_159, %mul3A_2] : memref<50x16384xi32, #tpu.memory_space<hbm>> -> memref<1x512xi32, #tpu.memory_space<hbm>>
      %dma_wait3A_167 = tpu.memref_squeeze %dma_wait3A_166 : memref<1x512xi32, #tpu.memory_space<hbm>> -> memref<512xi32, #tpu.memory_space<hbm>>
      tpu.wait_dma2 semaphore(%arg12 : memref<!tpu.dma_semaphore, #tpu.memory_space<semaphore_mem>>) src(%dma_wait3A_167 : memref<512xi32, #tpu.memory_space<hbm>>) dst(%dma_wait3A_165 : memref<512xi32, #tpu.memory_space<vmem>>)
    }
    %scan3A_142 = arith.constant 50 : i32
    %barrier3A = arith.constant 0 : index
    tpu.barrier barrier_id(%barrier3A)
    %dma_start3A_143 = arith.constant 0 : i32
    %dma_start3A_144 = tpu.memref_slice %arg9[%dma_start3A_143] : memref<1000000xf32, #tpu.memory_space<vmem_shared>> -> memref<1000000xf32, #tpu.memory_space<vmem_shared>>
    tpu.enqueue_indirect_dma source(%dma_start3A_144 : memref<1000000xf32, #tpu.memory_space<vmem_shared>>) target(%arg6 : memref<25600xf32, #tpu.memory_space<vmem>>) offsets(%arg5 : memref<25600xi32, #tpu.memory_space<vmem>>) semaphore(%arg10 : memref<!tpu.dma_semaphore, #tpu.memory_space<semaphore_mem>>)
    %dma_wait3A_145 = arith.constant 0 : i32
    %dma_wait3A_146 = tpu.memref_slice %arg9[%dma_wait3A_145] : memref<1000000xf32, #tpu.memory_space<vmem_shared>> -> memref<1000000xf32, #tpu.memory_space<vmem_shared>>
    tpu.wait_indirect_dma semaphore(%arg10 : memref<!tpu.dma_semaphore, #tpu.memory_space<semaphore_mem>>) src(%dma_wait3A_146 : memref<1000000xf32, #tpu.memory_space<vmem_shared>>) dst(%arg6 : memref<25600xf32, #tpu.memory_space<vmem>>)
    %scan3A_147 = arith.constant 0 : i32
    %scan3A_148 = arith.constant 0 : i32
    %scan3A_149 = arith.constant 50 : i32
    %scan3A_150 = arith.addi %scan3A_148, %scan3A_149 : i32
    %scan3A_151 = arith.constant 1 : i32
    scf.for %scan3A_159 = %scan3A_148 to %scan3A_150 step %scan3A_151  : i32 {
      %mul3A_160 = arith.constant 512 : i32
      %mul3A_161 = arith.muli %scan3A_159, %mul3A_160 : i32
      %dma_start3A_162 = tpu.memref_slice %arg6[%mul3A_161] : memref<25600xf32, #tpu.memory_space<vmem>> -> memref<512xf32, #tpu.memory_space<vmem>>
      %dma_start3A_163 = tpu.memref_slice %arg4[%scan3A_159, %mul3A_2] : memref<50x16384xf32, #tpu.memory_space<hbm>> -> memref<1x512xf32, #tpu.memory_space<hbm>>
      %dma_start3A_164 = tpu.memref_squeeze %dma_start3A_163 : memref<1x512xf32, #tpu.memory_space<hbm>> -> memref<512xf32, #tpu.memory_space<hbm>>
      %dma_start3A_165 = tpu.memref_slice %arg4[%scan3A_159, %mul3A_2] : memref<50x16384xf32, #tpu.memory_space<hbm>> -> memref<1x512xf32, #tpu.memory_space<hbm>>
      %dma_start3A_166 = tpu.memref_squeeze %dma_start3A_165 : memref<1x512xf32, #tpu.memory_space<hbm>> -> memref<512xf32, #tpu.memory_space<hbm>>
      %dma_start3A_167 = tpu.memref_slice %arg6[%mul3A_161] : memref<25600xf32, #tpu.memory_space<vmem>> -> memref<512xf32, #tpu.memory_space<vmem>>
      tpu.enqueue_dma source(%dma_start3A_167 : memref<512xf32, #tpu.memory_space<vmem>>) target(%dma_start3A_166 : memref<512xf32, #tpu.memory_space<hbm>>) target_semaphore(%arg12 : memref<!tpu.dma_semaphore, #tpu.memory_space<semaphore_mem>>)
    }
    %scan3A_152 = arith.constant 50 : i32
    %scan3A_153 = arith.constant 0 : i32
    %scan3A_154 = arith.constant 0 : i32
    %scan3A_155 = arith.constant 50 : i32
    %scan3A_156 = arith.addi %scan3A_154, %scan3A_155 : i32
    %scan3A_157 = arith.constant 1 : i32
    scf.for %scan3A_159 = %scan3A_154 to %scan3A_156 step %scan3A_157  : i32 {
      %mul3A_160 = arith.constant 512 : i32
      %mul3A_161 = arith.muli %scan3A_159, %mul3A_160 : i32
      %dma_wait3A_162 = tpu.memref_slice %arg6[%mul3A_161] : memref<25600xf32, #tpu.memory_space<vmem>> -> memref<512xf32, #tpu.memory_space<vmem>>
      %dma_wait3A_163 = tpu.memref_slice %arg4[%scan3A_159, %mul3A_2] : memref<50x16384xf32, #tpu.memory_space<hbm>> -> memref<1x512xf32, #tpu.memory_space<hbm>>
      %dma_wait3A_164 = tpu.memref_squeeze %dma_wait3A_163 : memref<1x512xf32, #tpu.memory_space<hbm>> -> memref<512xf32, #tpu.memory_space<hbm>>
      %dma_wait3A_165 = tpu.memref_slice %arg4[%scan3A_159, %mul3A_2] : memref<50x16384xf32, #tpu.memory_space<hbm>> -> memref<1x512xf32, #tpu.memory_space<hbm>>
      %dma_wait3A_166 = tpu.memref_squeeze %dma_wait3A_165 : memref<1x512xf32, #tpu.memory_space<hbm>> -> memref<512xf32, #tpu.memory_space<hbm>>
      %dma_wait3A_167 = tpu.memref_slice %arg6[%mul3A_161] : memref<25600xf32, #tpu.memory_space<vmem>> -> memref<512xf32, #tpu.memory_space<vmem>>
      tpu.wait_dma2 semaphore(%arg12 : memref<!tpu.dma_semaphore, #tpu.memory_space<semaphore_mem>>) src(%dma_wait3A_167 : memref<512xf32, #tpu.memory_space<vmem>>) dst(%dma_wait3A_166 : memref<512xf32, #tpu.memory_space<hbm>>)
    }
    %scan3A_158 = arith.constant 50 : i32
    return
  }
}

</mosaic_0001>

<sc_bundles>
// kernel: kernel.3.cloned.1.call-start
scs
__scs_entry_jumppad:
0x0: {  	(pc) =	sbr.rel $0x88, $3  }
0x1: {  	(tag) =	ssettag $0x0;
	lr =	simm.s32 $0x1  }
0x2: {  	[smem:$0x3F9F] =	sst lr;
	_ =	strace $0xD0000000  }
0x3: {  	_ = 	snop  }
0x4: {  	_ = 	snop  }
0x5: {  	_ = 	snop  }
0x6: {  	_ = 	snop  }
0x7: {  	_ = 	snop  }
__scs_overlays_trampoline_lowered:
0x8: {  	[smem:$0x3FAE] =	sst s0  }
0x9: {  	[smem:$0x3FAF] =	sst s1  }
0xa: {  	[smem:$0x3FB0] =	sst s2  }
0xb: {  	[smem:$0x3FB1] =	sst s3  }
0xc: {  	[smem:$0x3FB2] =	sst s4  }
0xd: {  	[smem:$0x3FB3] =	sst s5  }
0xe: {  	[smem:$0x3FB4] =	sst s6  }
0xf: {  	[smem:$0x3FB5] =	sst s7  }
0x10: {  	[smem:$0x3FB6] =	sst s8  }
0x11: {  	[smem:$0x3FB7] =	sst s9;
	s0 =	simm.s32 @!p0 $0x0  }
0x12: {  	s1 =	sld [smem:$0x3F9D];
	s0 =	simm.s32 @p0 $0x1  }
0x13: {  	[smem:$0x3FB8] =	sst s0;
	s0 =	simm.s32 @!p1 $0x0  }
0x14: {  	s2 =	sld [smem:$0x3F9C];
	s0 =	simm.s32 @p1 $0x1  }
0x15: {  	[smem:$0x3FB9] =	sst s0;
	s0 =	simm.s32 @!p2 $0x0  }
0x16: {  	s3 =	sld [smem:$0x3FDB];
	s0 =	simm.s32 @p2 $0x1  }
0x17: {  	s4 =	simm.s32 $0x1BF5;
	[smem:$0x3FBB] =	sst s0  }
0x18: {  	s0 =	sld [smem:$0x3F9E];
	_ =	swait.ge [sflag:s4], $0x0  }
0x19: {  	s7 =	sld [smem:$0x3F9F]  }
0x1a: {  	s8 =	sadd.s32 $0xFFFFE003, lr  }
0x1b: {  	s9 =	sadd.s32 $0xFFFFFEF7, lr;
	s5 =	simm.s32 $0xFFFFFFFF;
	p2 =	slt.u32 s8, $0xFFFFF086  }
0x1c: {  	p1 =	slt.u32 s9, $0xF7A;
	s5 =	simm.s32 @!p2 $0x0  }
0x1d: {  	s5 =	simm.s32 @p1 $0x1;
	p0 =	seq.s32 s7, s2  }
0x1e: {  	s7 =	smul.u32 @!p0 $0xF7A, s2;
	p2 =	seq.s32 @!p0 s5, $0x0  }
0x1f: {  	s9 =	smul.u32 $0xF7A, s1;
	s8 =	simm.s32 @!p0 $0x1BF5;
	p2 =	por !p2, p0  }
0x20: {  	[sflag:s8] =	ssyncset.s32 @!p0 $0xFFFFF086;
	s6 =	sadd.s32 @!p0 s3, s7;
	s7 =	simm.s32 @!p0 $0x108  }
0x21: {  	s3 =	sadd.s32 s3, s9;
	s6 =	sadd.s32 @!p0 $0x88, s6;
	s7 =	simm.s32 @p2 $0x1082  }
0x22: {  	[simem:s7], [sflag:s8] =	dma.local @!p0 [hbm:s6], $0xF7A  }
0x23: {  	s9 =	sor.u32 $0xD0000000, s2;
	s6 =	simm.s32 $0x108;
	_ =	swait.ge @!p0 [sflag:s8], $0x0  }
0x24: {  	s3 =	sadd.s32 $0x88, s3;
	s6 =	simm.s32 @!p1 $0x1082;
	[sflag:s4] =	ssyncset.s32 $0xFFFFF086  }
0x25: {  	[simem:s6], [sflag:s4] =	dma.local [hbm:s3], $0xF7A  }
0x26: {  	[smem:$0x3F9F] =	sst s1;
	(tag) =	ssettag s2;
	_ =	strace s9  }
0x27: {  	s1 =	sld [smem:$0x3FAF]  }
0x28: {  	s2 =	sld [smem:$0x3FB0]  }
0x29: {  	s4 =	sld [smem:$0x3FB2]  }
0x2a: {  	p0 =	seq.s32 s5, $0x0;
	s5 =	sld [smem:$0x3FB3]  }
0x2b: {  	s6 =	sld [smem:$0x3FB4]  }
0x2c: {  	s7 =	sld [smem:$0x3FB5]  }
0x2d: {  	s3 =	simm.s32 $0x108;
	s8 =	sld [smem:$0x3FB6]  }
0x2e: {  	s3 =	simm.s32 @!p0 $0x1082;
	s9 =	sld [smem:$0x3FB7]  }
0x2f: {  	lr =	sadd.s32 s0, s3;
	s0 =	sld [smem:$0x3FAE]  }
0x30: {  	s3 =	sld [smem:$0x3FB1]  }
0x31: {  	[smem:$0x3FBA] =	sst s10  }
0x32: {  	s10 =	sld [smem:$0x3FB8];
	_ =	sdelay $0x3  }
0x33: {  	p0 =	seq.s32 s10, $0x1;
	s10 =	sld [smem:$0x3FBA];
	_ =	sdelay $0x3  }
0x34: {  	[smem:$0x3FBA] =	sst s10  }
0x35: {  	s10 =	sld [smem:$0x3FB9];
	_ =	sdelay $0x3  }
0x36: {  	p1 =	seq.s32 s10, $0x1;
	s10 =	sld [smem:$0x3FBA];
	_ =	sdelay $0x3  }
0x37: {  	[smem:$0x3FBA] =	sst s10  }
0x38: {  	s10 =	sld [smem:$0x3FBB]  }
0x39: {  	_ = 	snop;
	(pc) =	sbr.ind lr, $3  }
0x3a: {  	_ = 	snop  }
0x3b: {  	_ = 	snop  }
0x3c: {  	p2 =	seq.s32 s10, $0x1;
	s10 =	sld [smem:$0x3FBA]  }
0x3d: {  	_ =	shalt  }
0x3e: {  	_ =	shalt  }
0x3f: {  	_ =	shalt  }
0x40: {  	_ =	shalt  }
0x41: {  	_ =	shalt  }
0x42: {  	_ =	shalt  }
0x43: {  	_ =	shalt  }
0x44: {  	_ =	shalt  }
0x45: {  	_ =	shalt  }
0x46: {  	_ =	shalt  }
0x47: {  	_ =	shalt  }
0x48: {  	_ =	shalt  }
0x49: {  	_ =	shalt  }
0x4a: {  	_ =	shalt  }
0x4b: {  	_ =	shalt  }
0x4c: {  	_ =	shalt  }
0x4d: {  	_ =	shalt  }
0x4e: {  	_ =	shalt  }
0x4f: {  	_ =	shalt  }
0x50: {  	_ =	shalt  }
0x51: {  	_ =	shalt  }
0x52: {  	_ =	shalt  }
0x53: {  	_ =	shalt  }
0x54: {  	_ =	shalt  }
0x55: {  	_ =	shalt  }
0x56: {  	_ =	shalt  }
0x57: {  	_ =	shalt  }
0x58: {  	_ =	shalt  }
0x59: {  	_ =	shalt  }
0x5a: {  	_ =	shalt  }
0x5b: {  	_ =	shalt  }
0x5c: {  	_ =	shalt  }
0x5d: {  	_ =	shalt  }
0x5e: {  	_ =	shalt  }
0x5f: {  	_ =	shalt  }
0x60: {  	_ =	shalt  }
0x61: {  	_ =	shalt  }
0x62: {  	_ =	shalt  }
0x63: {  	_ =	shalt  }
0x64: {  	_ =	shalt  }
0x65: {  	_ =	shalt  }
0x66: {  	_ =	shalt  }
0x67: {  	_ =	shalt  }
0x68: {  	_ =	shalt  }
0x69: {  	_ =	shalt  }
0x6a: {  	_ =	shalt  }
0x6b: {  	_ =	shalt  }
0x6c: {  	_ =	shalt  }
0x6d: {  	_ =	shalt  }
0x6e: {  	_ =	shalt  }
0x6f: {  	_ =	shalt  }
0x70: {  	_ =	shalt  }
0x71: {  	_ =	shalt  }
0x72: {  	_ =	shalt  }
0x73: {  	_ =	shalt  }
0x74: {  	_ =	shalt  }
0x75: {  	_ =	shalt  }
0x76: {  	_ =	shalt  }
0x77: {  	_ =	shalt  }
0x78: {  	_ =	shalt  }
0x79: {  	_ =	shalt  }
0x7a: {  	_ =	shalt  }
0x7b: {  	_ =	shalt  }
0x7c: {  	_ =	shalt  }
0x7d: {  	_ =	shalt  }
0x7e: {  	_ =	shalt  }
0x7f: {  	_ =	shalt  }
0x80: {  	_ =	shalt  }
0x81: {  	_ =	shalt  }
0x82: {  	_ =	shalt  }
0x83: {  	_ =	shalt  }
0x84: {  	_ =	shalt  }
0x85: {  	_ =	shalt  }
0x86: {  	_ =	shalt  }
0x87: {  	_ =	shalt  }
.Lfunc_end0:
.L_simem_size_0:
called_computation_lowered:
.L_overlay_start_0:
0x88: {  	s2 =	sld [smem:$0x3FD9]  }
0x89: {  	s3 =	sld [smem:$0x3FFE];
	_ =	sdelay $0x1  }
0x8a: {  	s1 =	srdreg.scid  }
0x8b: {  	s0 =	sand.u32 $0x1, s1  }
0x8c: {  	s18 =	sshll.u32 s0, $0xA;
	s2 =	sadd.s32 s3, s2  }
0x8d: {  	s2 =	sadd.s32 s2, s18  }
0x8e: {  	[smem:$0x3FC6] =	sst s2  }
0x8f: {  	_ = 	snop  }
0x90: {  	s2 =	sld [smem:$0x3FC9]  }
0x91: {  	s19 =	sld [smem:$0x3FC8]  }
0x92: {  	s4 =	sld [smem:$0x3FD0];
	(tm) =	ssettm $0x1  }
0x93: {  	s5 =	sld [smem:$0x3FFB];
	_ =	sdelay $0x3  }
0x94: {  	_ =	strace s5  }
0x95: {  	s5 =	sld [smem:$0x3FFC];
	_ =	sdelay $0x3  }
0x96: {  	_ =	strace s5  }
0x97: {  	s5 =	sld [smem:$0x3FFD];
	_ =	sdelay $0x3  }
0x98: {  	_ =	strace s5  }
0x99: {  	_ =	strace $0x8FFFFFFF  }
0x9a: {  	s20 =	sld [smem:$0x3FDB];
	_ =	sdelay $0x1  }
0x9b: {  	s6 =	simm.s32 $_scs_section_size  }
0x9c: {  	s7 =	simm.s32 $_size__tile_overlayer_lowered;
	s8 =	simm.s32 $_tile_overlayer_lowered  }
0x9d: {  	s23 =	simm.s32 $0x1BFF;
	s22 =	sshll.u32 s8, $0x1;
	s5 =	sadd.s32 s6, s20  }
0x9e: {  	s9 =	simm.s32 $0x0;
	s21 =	sshll.u32 s7, $0x1;
	s7 =	sadd.s32 s22, s5  }
0x9f: {  	[timem:s9], [sflag:s23] =	dma.local [hbm:s7], s21  }
0xa0: {  	_ =	swait.ge [sflag:s23], s21  }
0xa1: {  	s6 =	ssub.s32 $0x0, s21;
	[sflag:s23] =	ssyncset.done $0x0  }
0xa2: {  	[sflag:s23] =	ssyncadd.s32 s6;
	_ =	sdelay $0x1  }
0xa3: {  	s24 =	simm.s32 $0x1B8B  }
0xa4: {  	_ =	swait.ge [sflag:s24], $0x1  }
0xa5: {  	[sflag:s24] =	ssyncset.done $0x0  }
0xa6: {  	s25 =	simm.s32 $0x1B8E;
	[sflag:s24] =	ssyncadd.s32 $0xFFFFFFFF  }
0xa7: {  	s26 =	simm.s32 $execute0_lowered;
	[smem:$0x3FD2] =	sst s25  }
0xa8: {  	s6 =	sshll.u32 s26, $0x1;
	_ =	strace $0x80000046;
	[dreg:$0x1] =	wrdreg $0xFFFFFFFF  }
0xa9: {  	s28 =	simm.s32 $_size_execute0_lowered;
	s5 =	sadd.s32 s5, s6;
	[dreg:$0x0] =	wrdreg $0x0  }
0xaa: {  	s6 =	sshll.u32 s28, $0x1;
	[dreg:$0x2] =	wrdreg s5  }
0xab: {  	[dreg:$0x3] =	wrdreg s6  }
0xac: {  	[dreg:$0x4] =	wrdreg $0xC0  }
0xad: {  	_ =	task [dreg:s9], $0x5FFFF  }
0xae: {  	[dreg:$0x1] =	wrdreg $0xFFFFFFFF  }
0xaf: {  	[dreg:$0x0] =	wrdreg $0x60  }
0xb0: {  	[dreg:$0x2] =	wrdreg s2  }
0xb1: {  	[dreg:$0x3] =	wrdreg s19  }
0xb2: {  	[dreg:$0x4] =	wrdreg s4  }
0xb3: {  	[dreg:$0x5] =	wrdreg $0x106000  }
0xb4: {  	[dreg:$0x6] =	wrdreg $0x9  }
0xb5: {  	_ =	task.clear_ibuf [dreg:s9], $0x7FFFF;
	_ =	strace $0x90000046  }
0xb6: {  	s29 =	simm.s32 $0x9;
	_ =	strace $0x80000048  }
0xb7: {  	_ =	swait.ge [sflag:s29], $0x1  }
0xb8: {  	[sflag:s29] =	ssyncadd.s32 $0xFFFFFFFF  }
0xb9: {  	_ =	strace $0x90000048  }
0xba: {  	_ =	sfence  }
0xbb: {  	s30 =	sld [smem:$0x0];
	_ =	sdelay $0x2  }
0xbc: {  	s31 =	sshll.u32 s1, $0xD;
	s1 =	sshrl.u32 s1, $0x2  }
0xbd: {  	s3 =	sand.u32 $0x4000, s31;
	s1 =	sadd.s32 s1, s30  }
0xbe: {  	s0 =	sor.u32 s3, s0;
	s1 =	sshll.u32 s1, $0x11  }
0xbf: {  	s0 =	sor.u32 s1, s0  }
0xc0: {  	s0 =	sadd.s32 $0x8F2B, s0  }
0xc1: {  	[sflag:s0] =	ssyncadd.remote.s32 $0x1  }
0xc2: {  	_ =	sfence.sel $0xFFFF  }
0xc3: {  	[dreg:$0x0] =	wrdreg $0xFFFFFFFF;
	(pc) =	sbr.abs _section_cstart, $3  }
0xc4: {  	[dreg:$0x1] =	wrdreg $0xFFFFFFFF  }
0xc5: {  	_ =	task.clear_ibuf [dreg:s9], $0x2FFFF;
	_ =	strace $0x9FFFFFFF  }
0xc6: {  	(tm) =	ssettm $0x7FFFFFFF  }
0xc7: {  	_ =	shalt  }
tec
execute0_lowered:
.L_overlay_start_1:
0x0: {  	(tag) =	ssettag $0x1  }
0x1: {  	s0 =	rddreg [dreg:$0x0]  }
0x2: {  	s1 =	rddreg [dreg:$0x1]  }
0x3: {  	s2 =	rddreg [dreg:$0x2]  }
0x4: {  	s23 =	rddreg [dreg:$0x3]  }
0x5: {  	s3 =	srdreg.scid;
	s8 =	stileid.u32;
	s28 =	simm.s32 $0x2  }
0x6: {  	s29 =	simm.s32 $0x4;
	s30 =	simm.s32 $0x3;
	s4 =	sand.u32 $0x1, s3  }
0x7: {  	s3 =	simm.s32 $0x0;
	s7 =	smul.u32 $0xF424, s8;
	s15 =	sshll.u32 s8, $0xA  }
0x8: {  	s5 =	ssub.s32 $0x2, s4;
	[smem:$0x7FF] =	sst s3;
	s4 =	sshll.u32 s4, $0x9  }
0x9: {  	s6 =	sshrl.u32 s5, $0x1;
	_ =	strace $0x80000047;
	s16 =	sand.u32 $0xFFFF8, s7  }
0xa: {  	s21 =	sor.u32 s4, s15;
	s17 =	sshrl.u32 s7, $0x3;
	s22 =	ssub.s32 s5, s6  }
0xb: {  	s9 =	sadd.s32 $0x1E88, s16;
	s4 =	sadd.s32 s1, s17;
	s11 =	sadd.s32 $0x3D10, s16  }
0xc: {  	s6 =	sadd.s32 s0, s21;
	s24 =	sadd.s32 s16, s23;
	s25 =	sadd.s32 $0x5B98, s16  }
0xd: {  	s15 =	sadd.s32 $0x7A20, s16;
	s17 =	sadd.s32 $0x98A8, s16;
	s26 =	sadd.s32 $0xB730, s16  }
0xe: {  	s21 =	sadd.s32 s2, s21;
	s0 =	simm.s32 $0x1;
	s2 =	simm.s32 $0x0  }
0xf: {  	[dreg:$0x5] =	wrdreg s4;
	s18 =	sshrl.u32 s9, $0x3;
	s20 =	sshrl.u32 s11, $0x3  }
0x10: {  	[dreg:$0x7] =	wrdreg s24;
	s9 =	sadd.s32 s9, s23;
	s10 =	sshrl.u32 s25, $0x3  }
0x11: {  	s12 =	sshrl.u32 s15, $0x3;
	s11 =	sadd.s32 s11, s23;
	s14 =	sshrl.u32 s17, $0x3  }
0x12: {  	s13 =	sadd.s32 s25, s23;
	s15 =	sadd.s32 s15, s23;
	s17 =	sadd.s32 s17, s23  }
0x13: {  	s22 =	smax.u32 s22, $0x1;
	s24 =	simm.s32 $0xE700;
	s25 =	simm.s32 $0x80  }
0x14: {  	s19 =	sadd.s32 s1, s18;
	s8 =	sadd.s32 s1, s20;
	s10 =	sadd.s32 s1, s10  }
0x15: {  	s12 =	sadd.s32 s1, s12;
	s14 =	sadd.s32 s1, s14;
	s18 =	sshrl.u32 s26, $0x3  }
0x16: {  	s20 =	sadd.s32 $0xD5B8, s16;
	[dreg:$0x6] =	wrdreg s19;
	s16 =	sadd.s32 s1, s18  }
0x17: {  	s31 =	sshrl.u32 s20, $0x3;
	s19 =	sadd.s32 s26, s23;
	s20 =	sadd.s32 s20, s23  }
0x18: {  	s23 =	simm.s32 $0xC800;
	s26 =	simm.s32 $0x400;
	s18 =	sadd.s32 s1, s31  }
.LBB2_1:
0x19: {  	s1 =	rddreg [dreg:$0x5];
	s7 =	sand.u32 $0x1C000, s3;
	s31 =	sand.u32 $0x70, s3  }
0x1a: {  	[tilespmem:s23], [sflag:$0x2] =	stream.linear.gather [hbm4b:s1+s3], $0x1E88, $0x38;
	[tilespmem:$0x1FA28] =	vst v63  }
0x1b: {  	s5 =	rddreg [dreg:$0x6];
	s1 =	sor.u32 s31, s7  }
0x1c: {  	[tilespmem:s24], [sflag:$0x2] =	stream.linear.gather [hbm4b:s5+s3], $0x1E88, $0x38;
	[tilespmem:$0x1FA28] =	vst v63  }
0x1d: {  	s31 =	simm.s32 $0x0;
	s1 =	sadd.s32 s1, s6  }
0x1e: {  	[tilespmem:s31], [sflag:$0x3] =	stream.strided.gather [hbm4b:s1+s25], $0x200, s26, s25, $0x38;
	[tilespmem:$0x1FA28] =	vst v63  }
0x1f: {  	s1 =	simm.s32 $0x800;
	s31 =	simm.s32 $0x0  }
.LBB2_2:
0x20: {  	s4 =	sand.u32 $0x1C000, s1;
	p0 =	sne.s32 s1, $0x18800  }
.Ltmp0:
0x21: {  	s31 =	sadd.s32 $0x10, s31;
	s5 =	smov.u32 s1;
	(pc) =	sbr.rel @p0 .LBB2_2-.Ltmp0, $4  }
0x22: {  	s1 =	sadd.s32 $0x800, s1;
	s7 =	sand.u32 $0x70, s31  }
0x23: {  	s4 =	sor.u32 s7, s4  }
0x24: {  	s5 =	sshra.s32 s5, $0x2;
	s4 =	sadd.s32 s4, s6  }
0x25: {  	[tilespmem:s5], [sflag:$0x3] =	stream.strided.gather [hbm4b:s4+s25], $0x200, s26, s25, $0x38;
	[tilespmem:$0x1FA28] =	vst v63  }
0x26: {  	_ =	swait.ge [sflag:s28], $0x1E88  }
0x27: {  	[sflag:s28] =	ssyncset.done $0x0  }
0x28: {  	s1 =	rddreg [dreg:$0x7];
	[sflag:s28] =	ssyncadd.s32 $0xFFFFE178  }
0x29: {  	[spmem:s1] =	stream.linear.scatter [tilespmem:s23], [sflag:$0x4], $0x1E88, $0x38;
	[tilespmem:$0x1FA28] =	vst v63  }
0x2a: {  	_ =	swait.ge [sflag:s29], $0x1E88  }
0x2b: {  	[sflag:s29] =	ssyncset.done $0x0  }
0x2c: {  	[sflag:s29] =	ssyncadd.s32 $0xFFFFE178  }
0x2d: {  	[tilespmem:s23], [sflag:$0x2] =	stream.linear.gather [hbm4b:s8+s3], $0x1E88, $0x38;
	[tilespmem:$0x1FA28] =	vst v63  }
0x2e: {  	_ =	swait.ge [sflag:s28], $0x1E88  }
0x2f: {  	[sflag:s28] =	ssyncset.done $0x0  }
0x30: {  	[sflag:s28] =	ssyncadd.s32 $0xFFFFE178  }
0x31: {  	[spmem:s9] =	stream.linear.scatter [tilespmem:s24], [sflag:$0x4], $0x1E88, $0x38;
	[tilespmem:$0x1FA28] =	vst v63  }
0x32: {  	_ =	swait.ge [sflag:s29], $0x1E88  }
0x33: {  	[sflag:s29] =	ssyncset.done $0x0  }
0x34: {  	[sflag:s29] =	ssyncadd.s32 $0xFFFFE178  }
0x35: {  	[tilespmem:s24], [sflag:$0x2] =	stream.linear.gather [hbm4b:s10+s3], $0x1E88, $0x38;
	[tilespmem:$0x1FA28] =	vst v63  }
0x36: {  	_ =	swait.ge [sflag:s28], $0x1E88  }
0x37: {  	[sflag:s28] =	ssyncset.done $0x0  }
0x38: {  	[sflag:s28] =	ssyncadd.s32 $0xFFFFE178  }
0x39: {  	[spmem:s11] =	stream.linear.scatter [tilespmem:s23], [sflag:$0x4], $0x1E88, $0x38;
	[tilespmem:$0x1FA28] =	vst v63  }
0x3a: {  	_ =	swait.ge [sflag:s29], $0x1E88  }
0x3b: {  	[sflag:s29] =	ssyncset.done $0x0  }
0x3c: {  	[sflag:s29] =	ssyncadd.s32 $0xFFFFE178  }
0x3d: {  	[tilespmem:s23], [sflag:$0x2] =	stream.linear.gather [hbm4b:s12+s3], $0x1E88, $0x38;
	[tilespmem:$0x1FA28] =	vst v63  }
0x3e: {  	_ =	swait.ge [sflag:s28], $0x1E88  }
0x3f: {  	[sflag:s28] =	ssyncset.done $0x0  }
0x40: {  	[sflag:s28] =	ssyncadd.s32 $0xFFFFE178  }
0x41: {  	[spmem:s13] =	stream.linear.scatter [tilespmem:s24], [sflag:$0x4], $0x1E88, $0x38;
	[tilespmem:$0x1FA28] =	vst v63  }
0x42: {  	_ =	swait.ge [sflag:s29], $0x1E88  }
0x43: {  	[sflag:s29] =	ssyncset.done $0x0  }
0x44: {  	[sflag:s29] =	ssyncadd.s32 $0xFFFFE178  }
0x45: {  	[tilespmem:s24], [sflag:$0x2] =	stream.linear.gather [hbm4b:s14+s3], $0x1E88, $0x38;
	[tilespmem:$0x1FA28] =	vst v63  }
0x46: {  	_ =	swait.ge [sflag:s28], $0x1E88  }
0x47: {  	[sflag:s28] =	ssyncset.done $0x0  }
0x48: {  	[sflag:s28] =	ssyncadd.s32 $0xFFFFE178  }
0x49: {  	[spmem:s15] =	stream.linear.scatter [tilespmem:s23], [sflag:$0x4], $0x1E88, $0x38;
	[tilespmem:$0x1FA28] =	vst v63  }
0x4a: {  	_ =	swait.ge [sflag:s29], $0x1E88  }
0x4b: {  	[sflag:s29] =	ssyncset.done $0x0  }
0x4c: {  	[sflag:s29] =	ssyncadd.s32 $0xFFFFE178  }
0x4d: {  	[tilespmem:s23], [sflag:$0x2] =	stream.linear.gather [hbm4b:s16+s3], $0x1E88, $0x38;
	[tilespmem:$0x1FA28] =	vst v63  }
0x4e: {  	_ =	swait.ge [sflag:s28], $0x1E88  }
0x4f: {  	[sflag:s28] =	ssyncset.done $0x0  }
0x50: {  	[sflag:s28] =	ssyncadd.s32 $0xFFFFE178  }
0x51: {  	[spmem:s17] =	stream.linear.scatter [tilespmem:s24], [sflag:$0x4], $0x1E88, $0x38;
	[tilespmem:$0x1FA28] =	vst v63  }
0x52: {  	_ =	swait.ge [sflag:s29], $0x1E88  }
0x53: {  	[sflag:s29] =	ssyncset.done $0x0  }
0x54: {  	[sflag:s29] =	ssyncadd.s32 $0xFFFFE178  }
0x55: {  	[tilespmem:s24], [sflag:$0x2] =	stream.linear.gather [hbm4b:s18+s3], $0x1E70, $0x38;
	[tilespmem:$0x1FA28] =	vst v63  }
0x56: {  	_ =	swait.ge [sflag:s28], $0x1E88  }
0x57: {  	[sflag:s28] =	ssyncset.done $0x0  }
0x58: {  	[sflag:s28] =	ssyncadd.s32 $0xFFFFE178  }
0x59: {  	[spmem:s19] =	stream.linear.scatter [tilespmem:s23], [sflag:$0x4], $0x1E88, $0x38;
	[tilespmem:$0x1FA28] =	vst v63  }
0x5a: {  	_ =	swait.ge [sflag:s29], $0x1E88  }
0x5b: {  	[sflag:s29] =	ssyncset.done $0x0  }
0x5c: {  	[sflag:s29] =	ssyncadd.s32 $0xFFFFE178  }
0x5d: {  	_ =	swait.ge [sflag:s28], $0x1E70  }
0x5e: {  	[sflag:s28] =	ssyncset.done $0x0  }
0x5f: {  	[sflag:s28] =	ssyncadd.s32 $0xFFFFE190  }
0x60: {  	[spmem:s20] =	stream.linear.scatter [tilespmem:s24], [sflag:$0x4], $0x1E70, $0x38;
	[tilespmem:$0x1FA28] =	vst v63  }
0x61: {  	_ =	swait.ge [sflag:s29], $0x1E70  }
0x62: {  	[sflag:s29] =	ssyncset.done $0x0  }
0x63: {  	[sflag:s29] =	ssyncadd.s32 $0xFFFFE190  }
0x64: {  	_ =	swait.ge [sflag:s30], $0x200  }
0x65: {  	s1 =	simm.s32 $0x31;
	[sflag:s30] =	ssyncset.done $0x0  }
.LBB2_4:
0x66: {  	p0 =	sne.s32 s1, $0x1;
	s1 =	sadd.s32 $0xFFFFFFFF, s1;
	[sflag:s30] =	ssyncadd.s32 $0xFFFFFE00  }
.Ltmp1:
0x67: {  	(pc) =	sbr.rel @p0 .LBB2_4-.Ltmp1, $3  }
0x68: {  	_ =	sdelay $0x1  }
0x69: {  	_ =	swait.ge [sflag:s30], $0x200  }
0x6a: {  	[sflag:s30] =	ssyncset.done $0x0  }
0x6b: {  	[sflag:s30] =	ssyncadd.s32 $0xFFFFFE00  }
0x6c: {  	[bflag:$0x0] =	sbarrier.arrive $0xFFFF  }
0x6d: {  	s1 =	simm.s32 $0x0;
	s5 =	simm.s32 $0x6400;
	s4 =	rddreg [dreg:$0x3]  }
0x6e: {  	[tilespmem:s5], [sflag:$0x1] =	stream.indirect.gather [spmem:s4], $0x1, s1, s5, $0xb8;
	[tilespmem:$0x1FA28] =	vst v63  }
0x6f: {  	s7 =	sand.u32 $0x70, s1;
	s5 =	sand.u32 $0x1C000, s1;
	_ =	swait.ge [sflag:s0], $0x6400  }
0x70: {  	s31 =	simm.s32 $0x800;
	s4 =	sor.u32 s7, s5;
	[sflag:s0] =	ssyncset.done $0x0  }
0x71: {  	s7 =	simm.s32 $0x6400;
	s4 =	sadd.s32 s4, s21;
	[sflag:s0] =	ssyncadd.s32 $0xFFFF9C00  }
0x72: {  	[hbm4b:s4+s25] =	stream.strided.scatter [tilespmem:s7], [sflag:$0x3], $0x200, s26, s25, $0x38;
	[tilespmem:$0x1FA28] =	vst v63  }
.LBB2_6:
0x73: {  	s4 =	sand.u32 $0x1C000, s31;
	p0 =	sne.s32 s31, $0x18800  }
.Ltmp2:
0x74: {  	s1 =	sadd.s32 $0x10, s1;
	s5 =	smov.u32 s31;
	(pc) =	sbr.rel @p0 .LBB2_6-.Ltmp2, $4  }
0x75: {  	s31 =	sadd.s32 $0x800, s31;
	s7 =	sand.u32 $0x70, s1  }
0x76: {  	s5 =	sshra.s32 s5, $0x2;
	s4 =	sor.u32 s7, s4  }
0x77: {  	s5 =	sadd.s32 $0x6400, s5;
	s4 =	sadd.s32 s4, s21  }
0x78: {  	[hbm4b:s4+s25] =	stream.strided.scatter [tilespmem:s5], [sflag:$0x3], $0x200, s26, s25, $0x38;
	[tilespmem:$0x1FA28] =	vst v63  }
0x79: {  	_ =	swait.ge [sflag:s30], $0x200  }
0x7a: {  	s1 =	simm.s32 $0x31;
	[sflag:s30] =	ssyncset.done $0x0  }
.LBB2_8:
0x7b: {  	p0 =	sne.s32 s1, $0x1;
	s1 =	sadd.s32 $0xFFFFFFFF, s1;
	[sflag:s30] =	ssyncadd.s32 $0xFFFFFE00  }
.Ltmp3:
0x7c: {  	(pc) =	sbr.rel @p0 .LBB2_8-.Ltmp3, $3  }
0x7d: {  	_ =	sdelay $0x1  }
0x7e: {  	_ =	swait.ge [sflag:s30], $0x200  }
0x7f: {  	[sflag:s30] =	ssyncset.done $0x0  }
0x80: {  	s2 =	sadd.s32 $0x1, s2  }
0x81: {  	p0 =	sne.s32 s2, s22  }
.Ltmp4:
0x82: {  	_ = 	snop;
	(pc) =	sbr.rel @p0 .LBB2_1-.Ltmp4, $2  }
0x83: {  	_ =	sdelay $0x2  }
0x84: {  	[sflag:s30] =	ssyncadd.s32 $0xFFFFFE00  }
0x85: {  	_ =	sfence.sel $0x180000  }
0x86: {  	[bflag:$0x0] =	sbarrier.arrive $0xFFFF  }
0x87: {  	_ =	strace $0x90000047  }
0x88: {  	s0 =	stileid.u32;
	[bflag:$0x2] =	sbarrier.arrive $0xFFFF  }
0x89: {  	p0 =	sne.s32 s0, $0x0;
	s0 =	rddreg [dreg:$0x4]  }
0x8a: {  	s0 =	sadd.s32 @!p0 $0x100000, s0  }
0x8b: {  	[sflag:s0] =	ssyncadd.tile.s32 @!p0 $0x1;
	_ =	shalt  }
.Lfunc_end2:
_tile_overlayer_lowered:
.L_overlay_start_2:
0x8c: {  	(tag) =	ssettag $0x2  }
0x8d: {  	s0 =	rddreg [dreg:$0x0];
	s2 =	stileid.u32  }
0x8e: {  	s1 =	rddreg [dreg:$0x1];
	p0 =	sne.s32 s2, $0x0  }
0x8f: {  	s3 =	rddreg [dreg:$0x2];
	[bflag:$0x3] =	sbarrier.arrive $0xFFFF;
	s2 =	simm.s32 @!p0 $0x1C04  }
0x90: {  	[timem:s3], [sflag:s2] =	dma.local @!p0 [hbm:s0], s1  }
0x91: {  	s0 =	simm.s32 @!p0 $0x4  }
0x92: {  	_ =	swait.ge @!p0 [sflag:s0], s1  }
0x93: {  	s1 =	ssub.s32 @!p0 $0x0, s1;
	[sflag:s0] =	ssyncset.done @!p0 $0x0  }
0x94: {  	[sflag:s0] =	ssyncadd.s32 @!p0 s1  }
0x95: {  	[bflag:$0x3] =	sbarrier.arrive $0xFFFF  }
0x96: {  	_ =	shalt  }

</sc_bundles>
